<compile_context>
chip_gen: v7x
topology: tpu7x:2x2x1
jax: 0.10.2.dev20260603
libtpu: 0.0.44.dev20260713+nightly
codegen_flags: <defaults>
</compile_context>

<pallas_src>
import jax
import jax.numpy as jnp
import numpy as np
from jax import lax
from jax.experimental import pallas as pl
from jax.experimental.pallas import tpu as pltpu
from jax.experimental.pallas import tpu_sc as plsc

_CUT = 50
_D = 8
_BATCH = 16384
_XCOLS = _CUT + 350
_OUTCOLS = _CUT * (_D + 1)

_NC = 2
_NS = 16
_NW = _NC * _NS
_ROWS_PER_W = _BATCH // _NW
_CH = 64
_NCHUNK = _ROWS_PER_W // _CH
_XCH = _CH * _XCOLS
_YCH = _CH * _CUT
_OCH = _CH * _OUTCOLS
_NGROUPS = _OCH // 16

_r = np.arange(_OCH) // _OUTCOLS
_j = np.arange(_OCH) % _OUTCOLS
_t = _j // (_D + 1)
_d = _j % (_D + 1)
_src = np.where(_d == _D, _t, _CUT + _D * _t + _d)
_FTAB_NP = np.where(
    _src < _XCOLS,
    _r * _XCOLS + _src,
    _XCH + _r * _CUT + (_src - _XCOLS),
).astype(np.int32)


def _sc_body(xf_hbm, yf_hbm, ftab_hbm, outf_hbm, buf, ov, ftab):
    wid = lax.axis_index("s") * _NC + lax.axis_index("c")
    pltpu.sync_copy(ftab_hbm, ftab)
    base0 = wid * _ROWS_PER_W

    def chunk_body(i, carry):
        base = base0 + i * _CH
        pltpu.sync_copy(xf_hbm.at[pl.ds(base * _XCOLS, _XCH)],
                        buf.at[pl.ds(0, _XCH)])
        pltpu.sync_copy(yf_hbm.at[pl.ds(base * _CUT, _YCH)],
                        buf.at[pl.ds(_XCH, _YCH)])

        @plsc.parallel_loop(0, _NGROUPS, unroll=8)
        def group_body(g):
            iv = ftab[pl.ds(g * 16, 16)]
            ov[pl.ds(g * 16, 16)] = plsc.load_gather(buf, [iv])

        pltpu.sync_copy(ov, outf_hbm.at[pl.ds(base * _OUTCOLS, _OCH)])
        return carry

    lax.fori_loop(0, _NCHUNK, chunk_body, 0)


@jax.jit
def kernel(x, y):
    ftab = jnp.asarray(_FTAB_NP)
    outf = pl.kernel(
        _sc_body,
        out_type=jax.ShapeDtypeStruct((_BATCH * _OUTCOLS,), jnp.float32),
        mesh=plsc.VectorSubcoreMesh(core_axis_name="c", subcore_axis_name="s"),
        compiler_params=pltpu.CompilerParams(use_tc_tiling_on_sc=False,
                                             needs_layout_passes=False),
        scratch_types=[
            pltpu.VMEM((_XCH + _YCH,), jnp.float32),
            pltpu.VMEM((_OCH,), jnp.float32),
            pltpu.VMEM((_OCH,), jnp.int32),
        ],
    )(x.reshape(-1), y.reshape(-1), ftab)
    return outf.reshape(_BATCH, _CUT, _D + 1)

# --- scband reference (transcript-rebuilt; emitter-appended) ---
"""Pipeline reference for scband-preparation-with-time-augmentation-9887014716183 (READ-ONLY COPY).

The authoritative reference and input builder live on the scoring server;
editing this copy changes nothing except your own understanding.
"""

import jax, jax.numpy as jnp
import numpy as np

CUT = 50
D = 8
BATCH = 16384
N_VALUES_X = 350
N_NEW = 50
# order / extended_order buffers from init_kwargs (identity permutations of lengths cut and cut*dim)
ORDER = jnp.arange(CUT, dtype=jnp.int32)
EXT_ORDER = jnp.arange(CUT * D, dtype=jnp.int32)

def setup_inputs(seed: int = 0):
    key = jax.random.key(seed)
    k1, k2 = jax.random.split(key)
    x = jax.random.normal(k1, (BATCH, CUT + N_VALUES_X), dtype=jnp.float32)
    y = jax.random.normal(k2, (BATCH, N_NEW), dtype=jnp.float32)
    return {"x": x, "y": y}

def reference(x, y):
    # split x into leading timesteps and trailing values
    timesteps = x[:, :CUT]
    values = x[:, CUT:]
    # append newly sampled values
    values = jnp.concatenate([values, y], axis=1)
    # gather value columns by extended_order and reshape to [B, cut, dim]
    values = jnp.take(values, EXT_ORDER, axis=1)
    values = values.reshape(values.shape[0], CUT, D)
    # gather timesteps by order
    timesteps = jnp.take(timesteps, ORDER, axis=1)
    # concatenate time channel -> [B, cut, dim + 1]
    path = jnp.concatenate([values, timesteps[:, :, None]], axis=2)
    return path

if __name__ == "__main__":
    import jax
    _d = setup_inputs()
    print(jax.jit(kernel)(*tuple(_d.values())))

</pallas_src>

<mosaic_0001>
#map = affine_map<(d0, d1) -> (0)>
module attributes {stable_mosaic.version = 14 : i64} {
  func.func @_sc_body(%arg0: i32, %arg1: i32, %arg2: memref<6553600xf32, #tpu.memory_space<hbm>>, %arg3: memref<819200xf32, #tpu.memory_space<hbm>>, %arg4: memref<28800xi32, #tpu.memory_space<hbm>>, %arg5: memref<7372800xf32, #tpu.memory_space<hbm>>, %arg6: memref<28800xf32, #tpu.memory_space<vmem>>, %arg7: memref<28800xf32, #tpu.memory_space<vmem>>, %arg8: memref<28800xi32, #tpu.memory_space<vmem>>) attributes {dimension_semantics = [#tpu.dimension_semantics<core_parallel>, #tpu.dimension_semantics<subcore_parallel>], iteration_bounds = array<i64: 2, 16>, scalar_prefetch = 0 : i64, scratch_operands = 3 : i64, tpu.core_type = #tpu.core_type<sc_vector_subcore>, window_params = [{transform_indices = #map}, {transform_indices = #map}, {transform_indices = #map}, {transform_indices = #map}]} {
    %mul3A = arith.constant 2 : i32
    %mul3A_0 = arith.muli %arg1, %mul3A : i32
    %add3A = arith.addi %mul3A_0, %arg0 : i32
    "tpu.region"() ({
      %run_scoped3A = tpu.sem_alloc : memref<!tpu.dma_semaphore, #tpu.memory_space<semaphore_mem>>
      tpu.enqueue_dma source(%arg4 : memref<28800xi32, #tpu.memory_space<hbm>>) target(%arg8 : memref<28800xi32, #tpu.memory_space<vmem>>) target_semaphore(%run_scoped3A : memref<!tpu.dma_semaphore, #tpu.memory_space<semaphore_mem>>)
      tpu.wait_dma2 semaphore(%run_scoped3A : memref<!tpu.dma_semaphore, #tpu.memory_space<semaphore_mem>>) src(%arg4 : memref<28800xi32, #tpu.memory_space<hbm>>) dst(%arg8 : memref<28800xi32, #tpu.memory_space<vmem>>)
      tpu.yield
    }) : () -> ()
    %mul3A_1 = arith.constant 512 : i32
    %mul3A_2 = arith.muli %add3A, %mul3A_1 : i32
    %scan3A = arith.constant 0 : i32
    %scan3A_3 = arith.constant 0 : i32
    %scan3A_4 = arith.constant 8 : i32
    %scan3A_5 = arith.addi %scan3A_3, %scan3A_4 : i32
    %scan3A_6 = arith.constant 1 : i32
    scf.for %scan3A_8 = %scan3A_3 to %scan3A_5 step %scan3A_6  : i32 {
      %mul3A_9 = arith.constant 64 : i32
      %mul3A_10 = arith.muli %scan3A_8, %mul3A_9 : i32
      %add3A_11 = arith.addi %mul3A_2, %mul3A_10 : i32
      %mul3A_12 = arith.constant 400 : i32
      %mul3A_13 = arith.muli %add3A_11, %mul3A_12 : i32
      "tpu.region"() ({
        %run_scoped3A = tpu.sem_alloc : memref<!tpu.dma_semaphore, #tpu.memory_space<semaphore_mem>>
        %dma_start3A = arith.constant 0 : i32
        %dma_start3A_20 = tpu.memref_slice %arg6[%dma_start3A] : memref<28800xf32, #tpu.memory_space<vmem>> -> memref<25600xf32, #tpu.memory_space<vmem>>
        %dma_start3A_21 = tpu.memref_slice %arg2[%mul3A_13] : memref<6553600xf32, #tpu.memory_space<hbm>> -> memref<25600xf32, #tpu.memory_space<hbm>>
        %dma_start3A_22 = arith.constant 0 : i32
        %dma_start3A_23 = tpu.memref_slice %arg6[%dma_start3A_22] : memref<28800xf32, #tpu.memory_space<vmem>> -> memref<25600xf32, #tpu.memory_space<vmem>>
        %dma_start3A_24 = tpu.memref_slice %arg2[%mul3A_13] : memref<6553600xf32, #tpu.memory_space<hbm>> -> memref<25600xf32, #tpu.memory_space<hbm>>
        tpu.enqueue_dma source(%dma_start3A_24 : memref<25600xf32, #tpu.memory_space<hbm>>) target(%dma_start3A_23 : memref<25600xf32, #tpu.memory_space<vmem>>) target_semaphore(%run_scoped3A : memref<!tpu.dma_semaphore, #tpu.memory_space<semaphore_mem>>)
        %dma_wait3A = arith.constant 0 : i32
        %dma_wait3A_25 = tpu.memref_slice %arg6[%dma_wait3A] : memref<28800xf32, #tpu.memory_space<vmem>> -> memref<25600xf32, #tpu.memory_space<vmem>>
        %dma_wait3A_26 = tpu.memref_slice %arg2[%mul3A_13] : memref<6553600xf32, #tpu.memory_space<hbm>> -> memref<25600xf32, #tpu.memory_space<hbm>>
        %dma_wait3A_27 = arith.constant 0 : i32
        %dma_wait3A_28 = tpu.memref_slice %arg6[%dma_wait3A_27] : memref<28800xf32, #tpu.memory_space<vmem>> -> memref<25600xf32, #tpu.memory_space<vmem>>
        %dma_wait3A_29 = tpu.memref_slice %arg2[%mul3A_13] : memref<6553600xf32, #tpu.memory_space<hbm>> -> memref<25600xf32, #tpu.memory_space<hbm>>
        tpu.wait_dma2 semaphore(%run_scoped3A : memref<!tpu.dma_semaphore, #tpu.memory_space<semaphore_mem>>) src(%dma_wait3A_29 : memref<25600xf32, #tpu.memory_space<hbm>>) dst(%dma_wait3A_28 : memref<25600xf32, #tpu.memory_space<vmem>>)
        tpu.yield
      }) : () -> ()
      %mul3A_14 = arith.constant 50 : i32
      %mul3A_15 = arith.muli %add3A_11, %mul3A_14 : i32
      "tpu.region"() ({
        %run_scoped3A = tpu.sem_alloc : memref<!tpu.dma_semaphore, #tpu.memory_space<semaphore_mem>>
        %dma_start3A = arith.constant 25600 : i32
        %dma_start3A_20 = tpu.memref_slice %arg6[%dma_start3A] : memref<28800xf32, #tpu.memory_space<vmem>> -> memref<3200xf32, #tpu.memory_space<vmem>>
        %dma_start3A_21 = tpu.memref_slice %arg3[%mul3A_15] : memref<819200xf32, #tpu.memory_space<hbm>> -> memref<3200xf32, #tpu.memory_space<hbm>>
        %dma_start3A_22 = arith.constant 25600 : i32
        %dma_start3A_23 = tpu.memref_slice %arg6[%dma_start3A_22] : memref<28800xf32, #tpu.memory_space<vmem>> -> memref<3200xf32, #tpu.memory_space<vmem>>
        %dma_start3A_24 = tpu.memref_slice %arg3[%mul3A_15] : memref<819200xf32, #tpu.memory_space<hbm>> -> memref<3200xf32, #tpu.memory_space<hbm>>
        tpu.enqueue_dma source(%dma_start3A_24 : memref<3200xf32, #tpu.memory_space<hbm>>) target(%dma_start3A_23 : memref<3200xf32, #tpu.memory_space<vmem>>) target_semaphore(%run_scoped3A : memref<!tpu.dma_semaphore, #tpu.memory_space<semaphore_mem>>)
        %dma_wait3A = arith.constant 25600 : i32
        %dma_wait3A_25 = tpu.memref_slice %arg6[%dma_wait3A] : memref<28800xf32, #tpu.memory_space<vmem>> -> memref<3200xf32, #tpu.memory_space<vmem>>
        %dma_wait3A_26 = tpu.memref_slice %arg3[%mul3A_15] : memref<819200xf32, #tpu.memory_space<hbm>> -> memref<3200xf32, #tpu.memory_space<hbm>>
        %dma_wait3A_27 = arith.constant 25600 : i32
        %dma_wait3A_28 = tpu.memref_slice %arg6[%dma_wait3A_27] : memref<28800xf32, #tpu.memory_space<vmem>> -> memref<3200xf32, #tpu.memory_space<vmem>>
        %dma_wait3A_29 = tpu.memref_slice %arg3[%mul3A_15] : memref<819200xf32, #tpu.memory_space<hbm>> -> memref<3200xf32, #tpu.memory_space<hbm>>
        tpu.wait_dma2 semaphore(%run_scoped3A : memref<!tpu.dma_semaphore, #tpu.memory_space<semaphore_mem>>) src(%dma_wait3A_29 : memref<3200xf32, #tpu.memory_space<hbm>>) dst(%dma_wait3A_28 : memref<3200xf32, #tpu.memory_space<vmem>>)
        tpu.yield
      }) : () -> ()
      %parallel_loop3A = arith.constant 0 : i32
      %parallel_loop3A_16 = arith.constant 1800 : i32
      %parallel_loop3A_17 = arith.constant 1 : i32
      scf.for %parallel_loop3A_20 = %parallel_loop3A to %parallel_loop3A_16 step %parallel_loop3A_17  : i32 {
        %parallel_loop3A_21 = arith.constant 16 : i32
        %parallel_loop3A_22 = arith.muli %parallel_loop3A_20, %parallel_loop3A_21 : i32
        %parallel_loop3A_23 = arith.index_cast %parallel_loop3A_22 : i32 to index
        %parallel_loop3A_24 = tpu.vector_load %arg8[%parallel_loop3A_23] {strides = array<i32>} : memref<28800xi32, #tpu.memory_space<vmem>>, vector<16xi32>,
        %parallel_loop3A_25 = tpu.vector_load_idx %arg6[%parallel_loop3A_24] : memref<28800xf32, #tpu.memory_space<vmem>>[vector<16xi32>], vector<16xf32>,
        %parallel_loop3A_26 = arith.constant 16 : i32
        %parallel_loop3A_27 = arith.muli %parallel_loop3A_20, %parallel_loop3A_26 : i32
        %parallel_loop3A_28 = arith.index_cast %parallel_loop3A_27 : i32 to index
        %parallel_loop3A_29 = tpu.vector_load %arg7[%parallel_loop3A_28] {strides = array<i32>} : memref<28800xf32, #tpu.memory_space<vmem>>, vector<16xf32>,
        tpu.vector_store %arg7[%parallel_loop3A_28], %parallel_loop3A_25 {strides = array<i32>} : memref<28800xf32, #tpu.memory_space<vmem>>, vector<16xf32>,
      } {sc.loop_unroll_factor = 8 : i64, sc.parallel_access}
      %mul3A_18 = arith.constant 450 : i32
      %mul3A_19 = arith.muli %add3A_11, %mul3A_18 : i32
      "tpu.region"() ({
        %run_scoped3A = tpu.sem_alloc : memref<!tpu.dma_semaphore, #tpu.memory_space<semaphore_mem>>
        %dma_start3A = tpu.memref_slice %arg5[%mul3A_19] : memref<7372800xf32, #tpu.memory_space<hbm>> -> memref<28800xf32, #tpu.memory_space<hbm>>
        %dma_start3A_20 = tpu.memref_slice %arg5[%mul3A_19] : memref<7372800xf32, #tpu.memory_space<hbm>> -> memref<28800xf32, #tpu.memory_space<hbm>>
        tpu.enqueue_dma source(%arg7 : memref<28800xf32, #tpu.memory_space<vmem>>) target(%dma_start3A_20 : memref<28800xf32, #tpu.memory_space<hbm>>) target_semaphore(%run_scoped3A : memref<!tpu.dma_semaphore, #tpu.memory_space<semaphore_mem>>)
        %dma_wait3A = tpu.memref_slice %arg5[%mul3A_19] : memref<7372800xf32, #tpu.memory_space<hbm>> -> memref<28800xf32, #tpu.memory_space<hbm>>
        %dma_wait3A_21 = tpu.memref_slice %arg5[%mul3A_19] : memref<7372800xf32, #tpu.memory_space<hbm>> -> memref<28800xf32, #tpu.memory_space<hbm>>
        tpu.wait_dma2 semaphore(%run_scoped3A : memref<!tpu.dma_semaphore, #tpu.memory_space<semaphore_mem>>) src(%arg7 : memref<28800xf32, #tpu.memory_space<vmem>>) dst(%dma_wait3A_21 : memref<28800xf32, #tpu.memory_space<hbm>>)
        tpu.yield
      }) : () -> ()
    }
    %scan3A_7 = arith.constant 8 : i32
    return
  }
}

</mosaic_0001>

<sc_bundles>
// kernel: kernel.3.cloned.1.call-start
scs
__scs_entry_jumppad:
0x0: {  	(pc) =	sbr.rel $0x88, $3  }
0x1: {  	(tag) =	ssettag $0x0;
	lr =	simm.s32 $0x1  }
0x2: {  	[smem:$0x3F9F] =	sst lr;
	_ =	strace $0xD0000000  }
0x3: {  	_ = 	snop  }
0x4: {  	_ = 	snop  }
0x5: {  	_ = 	snop  }
0x6: {  	_ = 	snop  }
0x7: {  	_ = 	snop  }
__scs_overlays_trampoline_lowered:
0x8: {  	[smem:$0x3FAE] =	sst s0  }
0x9: {  	[smem:$0x3FAF] =	sst s1  }
0xa: {  	[smem:$0x3FB0] =	sst s2  }
0xb: {  	[smem:$0x3FB1] =	sst s3  }
0xc: {  	[smem:$0x3FB2] =	sst s4  }
0xd: {  	[smem:$0x3FB3] =	sst s5  }
0xe: {  	[smem:$0x3FB4] =	sst s6  }
0xf: {  	[smem:$0x3FB5] =	sst s7  }
0x10: {  	[smem:$0x3FB6] =	sst s8  }
0x11: {  	[smem:$0x3FB7] =	sst s9;
	s0 =	simm.s32 @!p0 $0x0  }
0x12: {  	s1 =	sld [smem:$0x3F9D];
	s0 =	simm.s32 @p0 $0x1  }
0x13: {  	[smem:$0x3FB8] =	sst s0;
	s0 =	simm.s32 @!p1 $0x0  }
0x14: {  	s2 =	sld [smem:$0x3F9C];
	s0 =	simm.s32 @p1 $0x1  }
0x15: {  	[smem:$0x3FB9] =	sst s0;
	s0 =	simm.s32 @!p2 $0x0  }
0x16: {  	s3 =	sld [smem:$0x3FDB];
	s0 =	simm.s32 @p2 $0x1  }
0x17: {  	s4 =	simm.s32 $0x1BF5;
	[smem:$0x3FBB] =	sst s0  }
0x18: {  	s0 =	sld [smem:$0x3F9E];
	_ =	swait.ge [sflag:s4], $0x0  }
0x19: {  	s7 =	sld [smem:$0x3F9F]  }
0x1a: {  	s8 =	sadd.s32 $0xFFFFE003, lr  }
0x1b: {  	s9 =	sadd.s32 $0xFFFFFEF7, lr;
	s5 =	simm.s32 $0xFFFFFFFF;
	p2 =	slt.u32 s8, $0xFFFFF086  }
0x1c: {  	p1 =	slt.u32 s9, $0xF7A;
	s5 =	simm.s32 @!p2 $0x0  }
0x1d: {  	s5 =	simm.s32 @p1 $0x1;
	p0 =	seq.s32 s7, s2  }
0x1e: {  	s7 =	smul.u32 @!p0 $0xF7A, s2;
	p2 =	seq.s32 @!p0 s5, $0x0  }
0x1f: {  	s9 =	smul.u32 $0xF7A, s1;
	s8 =	simm.s32 @!p0 $0x1BF5;
	p2 =	por !p2, p0  }
0x20: {  	[sflag:s8] =	ssyncset.s32 @!p0 $0xFFFFF086;
	s6 =	sadd.s32 @!p0 s3, s7;
	s7 =	simm.s32 @!p0 $0x108  }
0x21: {  	s3 =	sadd.s32 s3, s9;
	s6 =	sadd.s32 @!p0 $0x88, s6;
	s7 =	simm.s32 @p2 $0x1082  }
0x22: {  	[simem:s7], [sflag:s8] =	dma.local @!p0 [hbm:s6], $0xF7A  }
0x23: {  	s9 =	sor.u32 $0xD0000000, s2;
	s6 =	simm.s32 $0x108;
	_ =	swait.ge @!p0 [sflag:s8], $0x0  }
0x24: {  	s3 =	sadd.s32 $0x88, s3;
	s6 =	simm.s32 @!p1 $0x1082;
	[sflag:s4] =	ssyncset.s32 $0xFFFFF086  }
0x25: {  	[simem:s6], [sflag:s4] =	dma.local [hbm:s3], $0xF7A  }
0x26: {  	[smem:$0x3F9F] =	sst s1;
	(tag) =	ssettag s2;
	_ =	strace s9  }
0x27: {  	s1 =	sld [smem:$0x3FAF]  }
0x28: {  	s2 =	sld [smem:$0x3FB0]  }
0x29: {  	s4 =	sld [smem:$0x3FB2]  }
0x2a: {  	p0 =	seq.s32 s5, $0x0;
	s5 =	sld [smem:$0x3FB3]  }
0x2b: {  	s6 =	sld [smem:$0x3FB4]  }
0x2c: {  	s7 =	sld [smem:$0x3FB5]  }
0x2d: {  	s3 =	simm.s32 $0x108;
	s8 =	sld [smem:$0x3FB6]  }
0x2e: {  	s3 =	simm.s32 @!p0 $0x1082;
	s9 =	sld [smem:$0x3FB7]  }
0x2f: {  	lr =	sadd.s32 s0, s3;
	s0 =	sld [smem:$0x3FAE]  }
0x30: {  	s3 =	sld [smem:$0x3FB1]  }
0x31: {  	[smem:$0x3FBA] =	sst s10  }
0x32: {  	s10 =	sld [smem:$0x3FB8];
	_ =	sdelay $0x3  }
0x33: {  	p0 =	seq.s32 s10, $0x1;
	s10 =	sld [smem:$0x3FBA];
	_ =	sdelay $0x3  }
0x34: {  	[smem:$0x3FBA] =	sst s10  }
0x35: {  	s10 =	sld [smem:$0x3FB9];
	_ =	sdelay $0x3  }
0x36: {  	p1 =	seq.s32 s10, $0x1;
	s10 =	sld [smem:$0x3FBA];
	_ =	sdelay $0x3  }
0x37: {  	[smem:$0x3FBA] =	sst s10  }
0x38: {  	s10 =	sld [smem:$0x3FBB]  }
0x39: {  	_ = 	snop;
	(pc) =	sbr.ind lr, $3  }
0x3a: {  	_ = 	snop  }
0x3b: {  	_ = 	snop  }
0x3c: {  	p2 =	seq.s32 s10, $0x1;
	s10 =	sld [smem:$0x3FBA]  }
0x3d: {  	_ =	shalt  }
0x3e: {  	_ =	shalt  }
0x3f: {  	_ =	shalt  }
0x40: {  	_ =	shalt  }
0x41: {  	_ =	shalt  }
0x42: {  	_ =	shalt  }
0x43: {  	_ =	shalt  }
0x44: {  	_ =	shalt  }
0x45: {  	_ =	shalt  }
0x46: {  	_ =	shalt  }
0x47: {  	_ =	shalt  }
0x48: {  	_ =	shalt  }
0x49: {  	_ =	shalt  }
0x4a: {  	_ =	shalt  }
0x4b: {  	_ =	shalt  }
0x4c: {  	_ =	shalt  }
0x4d: {  	_ =	shalt  }
0x4e: {  	_ =	shalt  }
0x4f: {  	_ =	shalt  }
0x50: {  	_ =	shalt  }
0x51: {  	_ =	shalt  }
0x52: {  	_ =	shalt  }
0x53: {  	_ =	shalt  }
0x54: {  	_ =	shalt  }
0x55: {  	_ =	shalt  }
0x56: {  	_ =	shalt  }
0x57: {  	_ =	shalt  }
0x58: {  	_ =	shalt  }
0x59: {  	_ =	shalt  }
0x5a: {  	_ =	shalt  }
0x5b: {  	_ =	shalt  }
0x5c: {  	_ =	shalt  }
0x5d: {  	_ =	shalt  }
0x5e: {  	_ =	shalt  }
0x5f: {  	_ =	shalt  }
0x60: {  	_ =	shalt  }
0x61: {  	_ =	shalt  }
0x62: {  	_ =	shalt  }
0x63: {  	_ =	shalt  }
0x64: {  	_ =	shalt  }
0x65: {  	_ =	shalt  }
0x66: {  	_ =	shalt  }
0x67: {  	_ =	shalt  }
0x68: {  	_ =	shalt  }
0x69: {  	_ =	shalt  }
0x6a: {  	_ =	shalt  }
0x6b: {  	_ =	shalt  }
0x6c: {  	_ =	shalt  }
0x6d: {  	_ =	shalt  }
0x6e: {  	_ =	shalt  }
0x6f: {  	_ =	shalt  }
0x70: {  	_ =	shalt  }
0x71: {  	_ =	shalt  }
0x72: {  	_ =	shalt  }
0x73: {  	_ =	shalt  }
0x74: {  	_ =	shalt  }
0x75: {  	_ =	shalt  }
0x76: {  	_ =	shalt  }
0x77: {  	_ =	shalt  }
0x78: {  	_ =	shalt  }
0x79: {  	_ =	shalt  }
0x7a: {  	_ =	shalt  }
0x7b: {  	_ =	shalt  }
0x7c: {  	_ =	shalt  }
0x7d: {  	_ =	shalt  }
0x7e: {  	_ =	shalt  }
0x7f: {  	_ =	shalt  }
0x80: {  	_ =	shalt  }
0x81: {  	_ =	shalt  }
0x82: {  	_ =	shalt  }
0x83: {  	_ =	shalt  }
0x84: {  	_ =	shalt  }
0x85: {  	_ =	shalt  }
0x86: {  	_ =	shalt  }
0x87: {  	_ =	shalt  }
.Lfunc_end0:
.L_simem_size_0:
called_computation_lowered:
.L_overlay_start_0:
0x88: {  	s2 =	sld [smem:$0x3FD9]  }
0x89: {  	s3 =	sld [smem:$0x3FFE];
	_ =	sdelay $0x1  }
0x8a: {  	s1 =	srdreg.scid  }
0x8b: {  	s0 =	sand.u32 $0x1, s1  }
0x8c: {  	s17 =	sshll.u32 s0, $0xA;
	s2 =	sadd.s32 s3, s2  }
0x8d: {  	s2 =	sadd.s32 s2, s17  }
0x8e: {  	[smem:$0x3FC6] =	sst s2  }
0x8f: {  	_ = 	snop  }
0x90: {  	s2 =	sld [smem:$0x3FD0];
	(tm) =	ssettm $0x1  }
0x91: {  	s18 =	sld [smem:$0x3FFB];
	_ =	sdelay $0x3  }
0x92: {  	_ =	strace s18  }
0x93: {  	s3 =	sld [smem:$0x3FFC];
	_ =	sdelay $0x3  }
0x94: {  	_ =	strace s3  }
0x95: {  	s3 =	sld [smem:$0x3FFD];
	_ =	sdelay $0x3  }
0x96: {  	_ =	strace s3  }
0x97: {  	_ =	strace $0x8FFFFFFF  }
0x98: {  	s19 =	sld [smem:$0x3FDB];
	_ =	sdelay $0x1  }
0x99: {  	s4 =	simm.s32 $_scs_section_size  }
0x9a: {  	s5 =	simm.s32 $_size__tile_overlayer_lowered;
	s6 =	simm.s32 $_tile_overlayer_lowered  }
0x9b: {  	s22 =	simm.s32 $0x1BFF;
	s21 =	sshll.u32 s6, $0x1;
	s3 =	sadd.s32 s4, s19  }
0x9c: {  	s7 =	simm.s32 $0x0;
	s20 =	sshll.u32 s5, $0x1;
	s5 =	sadd.s32 s21, s3  }
0x9d: {  	[timem:s7], [sflag:s22] =	dma.local [hbm:s5], s20  }
0x9e: {  	_ =	swait.ge [sflag:s22], s20  }
0x9f: {  	s4 =	ssub.s32 $0x0, s20;
	[sflag:s22] =	ssyncset.done $0x0  }
0xa0: {  	[sflag:s22] =	ssyncadd.s32 s4;
	_ =	sdelay $0x1  }
0xa1: {  	s23 =	simm.s32 $0x1B8B  }
0xa2: {  	_ =	swait.ge [sflag:s23], $0x1  }
0xa3: {  	[sflag:s23] =	ssyncset.done $0x0  }
0xa4: {  	s25 =	simm.s32 $0x1B8E;
	s24 =	sld [smem:$0x3FFE];
	[sflag:s23] =	ssyncadd.s32 $0xFFFFFFFF  }
0xa5: {  	s26 =	simm.s32 $execute0_lowered;
	[smem:$0x3FD2] =	sst s25  }
0xa6: {  	s5 =	sshll.u32 s26, $0x1;
	_ =	strace $0x80000046;
	[dreg:$0x1] =	wrdreg $0xFFFFFFFF  }
0xa7: {  	s28 =	simm.s32 $_size_execute0_lowered;
	s3 =	sadd.s32 s3, s5;
	[dreg:$0x0] =	wrdreg $0x0  }
0xa8: {  	s5 =	sshll.u32 s28, $0x1;
	[dreg:$0x2] =	wrdreg s3  }
0xa9: {  	[dreg:$0x3] =	wrdreg s5  }
0xaa: {  	[dreg:$0x4] =	wrdreg $0xC0  }
0xab: {  	_ =	task [dreg:s7], $0x5FFFF  }
0xac: {  	[dreg:$0x1] =	wrdreg $0xFFFFFFFF  }
0xad: {  	[dreg:$0x0] =	wrdreg $0x60  }
0xae: {  	[dreg:$0x2] =	wrdreg s24  }
0xaf: {  	[dreg:$0x3] =	wrdreg s2  }
0xb0: {  	[dreg:$0x4] =	wrdreg $0x9  }
0xb1: {  	_ =	task.clear_ibuf [dreg:s7], $0x5FFFF;
	_ =	strace $0x90000046  }
0xb2: {  	s29 =	simm.s32 $0x9;
	_ =	strace $0x80000048  }
0xb3: {  	_ =	swait.ge [sflag:s29], $0x1  }
0xb4: {  	[sflag:s29] =	ssyncadd.s32 $0xFFFFFFFF  }
0xb5: {  	_ =	strace $0x90000048  }
0xb6: {  	_ =	sfence  }
0xb7: {  	s30 =	sld [smem:$0x0];
	_ =	sdelay $0x2  }
0xb8: {  	s31 =	sshll.u32 s1, $0xD;
	s1 =	sshrl.u32 s1, $0x2  }
0xb9: {  	s3 =	sand.u32 $0x4000, s31;
	s1 =	sadd.s32 s1, s30  }
0xba: {  	s0 =	sor.u32 s3, s0;
	s1 =	sshll.u32 s1, $0x11  }
0xbb: {  	s0 =	sor.u32 s1, s0  }
0xbc: {  	s0 =	sadd.s32 $0x8F2B, s0  }
0xbd: {  	[sflag:s0] =	ssyncadd.remote.s32 $0x1  }
0xbe: {  	_ =	sfence.sel $0xFFFF  }
0xbf: {  	[dreg:$0x0] =	wrdreg $0xFFFFFFFF;
	(pc) =	sbr.abs _section_cstart, $3  }
0xc0: {  	[dreg:$0x1] =	wrdreg $0xFFFFFFFF  }
0xc1: {  	_ =	task.clear_ibuf [dreg:s7], $0x2FFFF;
	_ =	strace $0x9FFFFFFF  }
0xc2: {  	(tm) =	ssettm $0x7FFFFFFF  }
0xc3: {  	_ =	shalt  }
tec
execute0_lowered:
.L_overlay_start_1:
0x0: {  	(tag) =	ssettag $0x1  }
0x1: {  	s6 =	rddreg [dreg:$0x0]  }
0x2: {  	s1 =	rddreg [dreg:$0x1]  }
0x3: {  	s0 =	rddreg [dreg:$0x2]  }
0x4: {  	s2 =	simm.s32 $0x0;
	s3 =	srdreg.scid;
	s11 =	simm.s32 $0x6400  }
0x5: {  	s12 =	simm.s32 $0x7080;
	s13 =	simm.s32 $0x0;
	[smem:$0x7FF] =	sst s2  }
0x6: {  	s4 =	sadd.s32 $0x119600, s6;
	s7 =	sand.u32 $0x1, s3;
	s5 =	sadd.s32 $0x600, s6  }
0x7: {  	s3 =	stileid.u32;
	s6 =	sadd.s32 $0x19600, s6;
	s8 =	ssub.s32 $0x2, s7  }
0x8: {  	s10 =	sshll.u32 s3, $0xA;
	s7 =	sshll.u32 s7, $0x9;
	s9 =	sshrl.u32 s8, $0x1  }
0x9: {  	_ =	strace $0x80000047;
	s7 =	sor.u32 s7, s10;
	s8 =	ssub.s32 s8, s9  }
0xa: {  	s10 =	simm.s32 $0x1;
	s9 =	simm.s32 $0xE100;
	s8 =	smax.u32 s8, $0x1  }
.LBB2_1:
0xb: {  	[tilespmem:s9], [sflag:$0x1] =	stream.linear.gather [hbm4b:s6+s2], $0x7080, $0x38;
	[tilespmem:$0x15180] =	vst v63  }
0xc: {  	_ =	swait.ge [sflag:s10], $0x7080  }
0xd: {  	[sflag:s10] =	ssyncset.done $0x0  }
0xe: {  	s14 =	simm.s32 $0x0;
	[sflag:s10] =	ssyncadd.s32 $0xFFFF8F80  }
.LBB2_2:
0xf: {  	s15 =	sshll.u32 s14, $0x6  }
0x10: {  	s15 =	sadd.s32 s7, s15  }
0x11: {  	s16 =	smul.u32 $0x32, s15;
	_ =	sdelay $0x1  }
0x12: {  	s17 =	sadd.s32 s4, s16  }
0x13: {  	[tilespmem:s2], [sflag:$0x1] =	stream.linear.gather [hbm4b:s17+s2], $0x6400, $0x38;
	[tilespmem:$0x15180] =	vst v63  }
0x14: {  	_ =	swait.ge [sflag:s10], $0x6400  }
0x15: {  	s16 =	sshrl.u32 s16, $0x3;
	[sflag:s10] =	ssyncset.done $0x0  }
0x16: {  	s16 =	sadd.s32 s5, s16;
	[sflag:s10] =	ssyncadd.s32 $0xFFFF9C00  }
0x17: {  	[tilespmem:s11], [sflag:$0x1] =	stream.linear.gather [hbm4b:s16+s2], $0xC80, $0x38;
	[tilespmem:$0x15180] =	vst v63  }
0x18: {  	_ =	swait.ge [sflag:s10], $0xC80  }
0x19: {  	[sflag:s10] =	ssyncset.done $0x0  }
0x1a: {  	s31 =	simm.s32 $0xE140;
	[sflag:s10] =	ssyncadd.s32 $0xFFFFF380  }
0x1b: {  	v0 =	vld [tilespmem:s31+$0x30]  }
0x1c: {  	v1 =	vld [tilespmem:s31+$0xFFFFFFD0]  }
0x1d: {  	v2 =	vld [tilespmem:s31+$0xFFFFFFE0]  }
0x1e: {  	v3 =	vld [tilespmem:s31+$0xFFFFFFF0]  }
0x1f: {  	v6 =	vld [tilespmem:s31+$0x0]  }
0x20: {  	v7 =	vld [tilespmem:s31+$0x10]  }
0x21: {  	v8 =	vld [tilespmem:s31+$0x20]  }
0x22: {  	v9 =	vld [tilespmem:s31+$0xFFFFFFC0]  }
0x23: {  	v10 =	vld.idx.msk [tilespmem:v0+s2+$0x0], $0xffff  }
0x24: {  	v11 =	vld.idx.msk [tilespmem:v1+s2+$0x0], $0xffff  }
0x25: {  	v5 =	vld.idx.msk [tilespmem:v2+s2+$0x0], $0xffff  }
0x26: {  	v4 =	vld.idx.msk [tilespmem:v3+s2+$0x0], $0xffff  }
0x27: {  	v2 =	vld.idx.msk [tilespmem:v6+s2+$0x0], $0xffff  }
0x28: {  	s16 =	simm.s32 $0x70C0;
	v0 =	vld.idx.msk [tilespmem:v7+s2+$0x0], $0xffff  }
0x29: {  	v1 =	vld.idx.msk [tilespmem:v8+s2+$0x0], $0xffff;
	[tilespmem:s16+$0x30] =	vst v10  }
0x2a: {  	s18 =	simm.s32 $0xE1C0;
	s17 =	simm.s32 $0x0;
	v3 =	vld.idx.msk [tilespmem:v9+s2+$0x0], $0xffff;
	[tilespmem:s16+$0xFFFFFFD0] =	vst v11  }
.LBB2_3:
0x2b: {  	v6 =	vld [tilespmem:s18+$0x30];
	s17 =	sadd.s32 $0x8, s17;
	[tilespmem:s16+$0xFFFFFFE0] =	vst v5  }
0x2c: {  	v5 =	vld [tilespmem:s18+$0xFFFFFFD0];
	p0 =	slt.u32 s17, $0x700;
	[tilespmem:s16+$0xFFFFFFF0] =	vst v4  }
0x2d: {  	v4 =	vld [tilespmem:s18+$0xFFFFFFE0];
	[tilespmem:s16+$0x0] =	vst v2  }
0x2e: {  	v2 =	vld [tilespmem:s18+$0xFFFFFFF0];
	[tilespmem:s16+$0x10] =	vst v0  }
0x2f: {  	v0 =	vld [tilespmem:s18+$0x0];
	[tilespmem:s16+$0x20] =	vst v1  }
0x30: {  	v1 =	vld [tilespmem:s18+$0x10];
	[tilespmem:s16+$0xFFFFFFC0] =	vst v3  }
0x31: {  	v3 =	vld [tilespmem:s18+$0x20]  }
0x32: {  	v7 =	vld [tilespmem:s18+$0xFFFFFFC0]  }
0x33: {  	v6 =	vld.idx.msk [tilespmem:v6+s2+$0x0], $0xffff  }
0x34: {  	v8 =	vld.idx.msk [tilespmem:v5+s2+$0x0], $0xffff  }
0x35: {  	v5 =	vld.idx.msk [tilespmem:v4+s2+$0x0], $0xffff  }
.Ltmp0:
0x36: {  	v4 =	vld.idx.msk [tilespmem:v2+s2+$0x0], $0xffff;
	(pc) =	sbr.rel @p0 .LBB2_3-.Ltmp0, $4  }
0x37: {  	v2 =	vld.idx.msk [tilespmem:v0+s2+$0x0], $0xffff  }
0x38: {  	s16 =	sadd.s32 $0x80, s16;
	v0 =	vld.idx.msk [tilespmem:v1+s2+$0x0], $0xffff  }
0x39: {  	v1 =	vld.idx.msk [tilespmem:v3+s2+$0x0], $0xffff;
	[tilespmem:s16+$0x30] =	vst v6  }
0x3a: {  	s18 =	sadd.s32 $0x80, s18;
	v3 =	vld.idx.msk [tilespmem:v7+s2+$0x0], $0xffff;
	[tilespmem:s16+$0xFFFFFFD0] =	vst v8  }
0x3b: {  	[tilespmem:s16+$0xFFFFFFE0] =	vst v5  }
0x3c: {  	[tilespmem:s16+$0xFFFFFFF0] =	vst v4  }
0x3d: {  	s15 =	smul.u32 $0x1C2, s15;
	[tilespmem:s16+$0x0] =	vst v2  }
0x3e: {  	s14 =	sadd.s32 $0x1, s14;
	[tilespmem:s16+$0x10] =	vst v0  }
0x3f: {  	p0 =	sne.s32 s14, $0x8;
	s15 =	sshrl.u32 s15, $0x3;
	[tilespmem:s16+$0x20] =	vst v1  }
.Ltmp1:
0x40: {  	s15 =	sadd.s32 s1, s15;
	[tilespmem:s16+$0xFFFFFFC0] =	vst v3;
	(pc) =	sbr.rel @p0 .LBB2_2-.Ltmp1, $4  }
0x41: {  	[hbm4b:s15+s2] =	stream.linear.scatter [tilespmem:s12], [sflag:$0x1], $0x7080, $0x38;
	[tilespmem:$0x15180] =	vst v63  }
0x42: {  	_ =	swait.ge [sflag:s10], $0x7080  }
0x43: {  	[sflag:s10] =	ssyncset.done $0x0  }
0x44: {  	[sflag:s10] =	ssyncadd.s32 $0xFFFF8F80  }
0x45: {  	s13 =	sadd.s32 $0x1, s13  }
0x46: {  	p0 =	sne.s32 s13, s8  }
.Ltmp2:
0x47: {  	_ = 	snop;
	(pc) =	sbr.rel @p0 .LBB2_1-.Ltmp2, $1  }
0x48: {  	_ =	sdelay $0x3  }
0x49: {  	_ =	sfence.sel $0x180000  }
0x4a: {  	[bflag:$0x0] =	sbarrier.arrive $0xFFFF  }
0x4b: {  	p0 =	sne.s32 s3, $0x0;
	_ =	strace $0x90000047  }
0x4c: {  	s0 =	sadd.s32 @!p0 $0x100000, s0;
	[bflag:$0x2] =	sbarrier.arrive $0xFFFF  }
0x4d: {  	[sflag:s0] =	ssyncadd.tile.s32 @!p0 $0x1;
	_ =	shalt  }
.Lfunc_end2:
_tile_overlayer_lowered:
.L_overlay_start_2:
0x4e: {  	(tag) =	ssettag $0x2  }
0x4f: {  	s0 =	rddreg [dreg:$0x0];
	s2 =	stileid.u32  }
0x50: {  	s1 =	rddreg [dreg:$0x1];
	p0 =	sne.s32 s2, $0x0  }
0x51: {  	s3 =	rddreg [dreg:$0x2];
	[bflag:$0x3] =	sbarrier.arrive $0xFFFF;
	s2 =	simm.s32 @!p0 $0x1C01  }
0x52: {  	[timem:s3], [sflag:s2] =	dma.local @!p0 [hbm:s0], s1  }
0x53: {  	s0 =	simm.s32 @!p0 $0x1  }
0x54: {  	_ =	swait.ge @!p0 [sflag:s0], s1  }
0x55: {  	s1 =	ssub.s32 @!p0 $0x0, s1;
	[sflag:s0] =	ssyncset.done @!p0 $0x0  }
0x56: {  	[sflag:s0] =	ssyncadd.s32 @!p0 s1  }
0x57: {  	[bflag:$0x3] =	sbarrier.arrive $0xFFFF  }
0x58: {  	_ =	shalt  }

</sc_bundles>
